<compile_context>
chip_gen: v7x
topology: tpu7x:2x2x1
jax: 0.10.2.dev20260603
libtpu: 0.0.44.dev20260713+nightly
codegen_flags: <defaults>
</compile_context>

<pallas_src>
import functools

import jax
import jax.numpy as jnp
from jax import lax
from jax.experimental import pallas as pl
from jax.experimental.pallas import tpu as pltpu
from jax.experimental.pallas import tpu_sc as plsc

_B, _C = 16384, 8
_OP_VOCAB, _OP_DIM = 64, 32
_COL_DIM = 16
_STATS_H, _PRED_DIM, _CSTAT_DIM, _OUT_DIM = 16, 8, 8, 64
_TD = _OP_DIM + _STATS_H + _PRED_DIM + _COL_DIM + _CSTAT_DIM
_BLKT = 8192
_GRIDT = _B // _BLKT


@functools.lru_cache(maxsize=None)
def _build_colmean():
    info = plsc.get_sparse_core_info()
    nc, ns = info.num_cores, info.num_subcores
    nw = nc * ns
    idx_w = _B * _C // nw
    row_w = _B // nw

    mesh = plsc.VectorSubcoreMesh(core_axis_name="c", subcore_axis_name="s")

    @functools.partial(
        pl.kernel,
        mesh=mesh,
        out_type=jax.ShapeDtypeStruct((_B, _COL_DIM), jnp.float32),
        compiler_params=pltpu.CompilerParams(use_tc_tiling_on_sc=False),
        scratch_types=[
            pltpu.VMEM((idx_w,), jnp.int32),
            pltpu.VMEM((idx_w, _COL_DIM), jnp.float32),
            pltpu.VMEM((row_w, _COL_DIM), jnp.float32),
            pltpu.SemaphoreType.DMA,
        ],
    )
    def colmean(ids_hbm, table_hbm, out_hbm, idx_v, rows_v, acc_v, sem):
        wid = lax.axis_index("s") * nc + lax.axis_index("c")
        base = wid * row_w
        for c in range(_C):
            pltpu.sync_copy(ids_hbm.at[pl.ds(c * _B + base, row_w)],
                            idx_v.at[pl.ds(c * row_w, row_w)])
        pltpu.async_copy(table_hbm.at[idx_v], rows_v, sem).wait()

        def body(i, carry):
            acc = rows_v[i, :]
            for c in range(1, _C):
                acc = acc + rows_v[c * row_w + i, :]
            acc_v[i, :] = acc * (1.0 / _C)
            return carry

        lax.fori_loop(0, row_w, body, 0)
        pltpu.sync_copy(acc_v, out_hbm.at[pl.ds(base, row_w)])

    return colmean


def _dense_body(opid_ref, stats_t_ref, pred_t_ref, cstat_t_ref,
                optab_t_ref, w1_ref, b1_ref, w2_ref, b2_ref,
                wc_ref, bc_ref, wo_ref, bo_ref, out_ref):
    f32 = jnp.float32
    wo = wo_ref[...]

    opid = lax.broadcast_in_dim(opid_ref[...], (_OP_VOCAB, _BLKT), (1,))
    iota = lax.broadcasted_iota(jnp.int32, (_OP_VOCAB, _BLKT), 0)
    onehot = (iota == opid).astype(f32)
    opv_t = jnp.dot(optab_t_ref[...], onehot, preferred_element_type=f32)

    h = jnp.dot(w1_ref[...], stats_t_ref[...], preferred_element_type=f32)
    h = jnp.maximum(h + b1_ref[...], 0.0)
    h = jnp.dot(w2_ref[...], h, preferred_element_type=f32) + b2_ref[...]

    cmean = jnp.sum(cstat_t_ref[...], axis=0) * (1.0 / _C)
    cs = jnp.dot(wc_ref[...], cmean, preferred_element_type=f32) + bc_ref[...]

    o = jnp.dot(wo[:, 0:_OP_DIM], opv_t, preferred_element_type=f32)
    o = o + jnp.dot(wo[:, _OP_DIM:_OP_DIM + _STATS_H], h,
                    preferred_element_type=f32)
    o = o + jnp.dot(wo[:, 48:48 + _PRED_DIM], pred_t_ref[...],
                    preferred_element_type=f32)
    o = o + jnp.dot(wo[:, 72:80], cs, preferred_element_type=f32)
    out_ref[...] = o + bo_ref[...]


def _combine_body(part_ref, cemb_ref, wo_ref, out_ref):
    f32 = jnp.float32
    cemb_t = jnp.transpose(cemb_ref[...])
    out_ref[...] = part_ref[...] + jnp.dot(
        wo_ref[...][:, 56:56 + _COL_DIM], cemb_t, preferred_element_type=f32)


def _combine_call(part_t, cemb, wo):
    return pl.pallas_call(
        _combine_body,
        grid=(_GRIDT,),
        in_specs=[
            pl.BlockSpec((_OUT_DIM, _BLKT), lambda i: (0, i)),
            pl.BlockSpec((_BLKT, _COL_DIM), lambda i: (i, 0)),
            pl.BlockSpec(wo.shape, lambda i: (0, 0)),
        ],
        out_specs=pl.BlockSpec((_OUT_DIM, _BLKT), lambda i: (0, i)),
        out_shape=jax.ShapeDtypeStruct((_OUT_DIM, _B), jnp.float32),
    )(part_t, cemb, wo)


def _dense_call(op_idx, stats_t, pred_t, cstat_t,
                optab_t, w1, b1c, w2, b2c, wc, bcc, wo, boc):
    def col_spec(d):
        return pl.BlockSpec((d, _BLKT), lambda i: (0, i))

    def full_spec(a):
        return pl.BlockSpec(a.shape, lambda i: (0,) * a.ndim)

    return pl.pallas_call(
        _dense_body,
        grid=(_GRIDT,),
        in_specs=[
            pl.BlockSpec((_BLKT,), lambda i: (i,)),
            col_spec(4),
            col_spec(_PRED_DIM),
            pl.BlockSpec((_C, 4, _BLKT), lambda i: (0, 0, i)),
            full_spec(optab_t),
            full_spec(w1), full_spec(b1c),
            full_spec(w2), full_spec(b2c),
            full_spec(wc), full_spec(bcc),
            full_spec(wo), full_spec(boc),
        ],
        out_specs=col_spec(_OUT_DIM),
        out_shape=jax.ShapeDtypeStruct((_OUT_DIM, _B), jnp.float32),
    )(op_idx, stats_t, pred_t, cstat_t,
      optab_t, w1, b1c, w2, b2c, wc, bcc, wo, boc)


def kernel(op_idx, stats, pred_flags, col_ids, col_stats,
           op_table, col_table, W1, b1, W2, b2, Wc, bc, Wo, bo):
    ids_cmajor = col_ids.T.reshape(-1)
    tbl_lin = lax.optimization_barrier(
        col_table.reshape(12500, 128)).reshape(100000, _COL_DIM)
    col_emb = _build_colmean()(ids_cmajor, tbl_lin)
    part_t = _dense_call(
        op_idx, stats.T, pred_flags.T, col_stats.transpose(1, 2, 0),
        op_table.T, W1, b1.reshape(-1, 1), W2, b2.reshape(-1, 1),
        Wc, bc.reshape(-1, 1), Wo, bo.reshape(-1, 1))
    out_t = _combine_call(part_t, col_emb, Wo)
    return out_t.T

# --- scband reference (transcript-rebuilt; emitter-appended) ---
"""Pipeline reference for scband-node-encoder-57664230917032 (READ-ONLY COPY).

The authoritative reference and input builder live on the scoring server;
editing this copy changes nothing except your own understanding.
"""

import jax, jax.numpy as jnp
import numpy as np

B, C = 16384, 8
OP_VOCAB, COL_VOCAB = 64, 100000
OP_DIM, STATS_H, PRED_DIM, COL_DIM, CSTAT_DIM, OUT_DIM = 32, 16, 8, 16, 8, 64
TOTAL_DIM = OP_DIM + STATS_H + PRED_DIM + COL_DIM + CSTAT_DIM  # 80


def setup_inputs(seed: int = 0) -> dict:
    key = jax.random.key(seed)
    ks = jax.random.split(key, 16)
    op_idx = jax.random.randint(ks[0], (B,), 0, OP_VOCAB)
    stats = jax.random.normal(ks[1], (B, 4), dtype=jnp.float32)
    pred_flags = jax.random.uniform(ks[2], (B, PRED_DIM), dtype=jnp.float32)
    col_ids = jax.random.randint(ks[3], (B, C), 0, COL_VOCAB)
    col_stats = jax.random.normal(ks[4], (B, C, 4), dtype=jnp.float32)
    op_table = jax.random.normal(ks[5], (OP_VOCAB, OP_DIM), dtype=jnp.float32) * 0.02
    col_table = jax.random.normal(ks[6], (COL_VOCAB, COL_DIM), dtype=jnp.float32) * 0.02
    W1 = jax.random.normal(ks[7], (STATS_H, 4), dtype=jnp.float32) * 0.1
    b1 = jnp.zeros((STATS_H,), dtype=jnp.float32)
    W2 = jax.random.normal(ks[8], (STATS_H, STATS_H), dtype=jnp.float32) * 0.1
    b2 = jnp.zeros((STATS_H,), dtype=jnp.float32)
    Wc = jax.random.normal(ks[9], (CSTAT_DIM, 4), dtype=jnp.float32) * 0.1
    bc = jnp.zeros((CSTAT_DIM,), dtype=jnp.float32)
    Wo = jax.random.normal(ks[10], (OUT_DIM, TOTAL_DIM), dtype=jnp.float32) * 0.05
    bo = jnp.zeros((OUT_DIM,), dtype=jnp.float32)
    return {"op_idx": op_idx, "stats": stats, "pred_flags": pred_flags,
            "col_ids": col_ids, "col_stats": col_stats,
            "op_table": op_table, "col_table": col_table,
            "W1": W1, "b1": b1, "W2": W2, "b2": b2,
            "Wc": Wc, "bc": bc, "Wo": Wo, "bo": bo}


def reference(op_idx, stats, pred_flags, col_ids, col_stats,
              op_table, col_table, W1, b1, W2, b2, Wc, bc, Wo, bo):
    # operator embedding lookup: [B, OP_DIM]
    op_vec = jnp.take(op_table, op_idx, axis=0)
    # stats MLP: Linear -> ReLU -> Linear
    h = jax.nn.relu(stats @ W1.T + b1) @ W2.T + b2
    # column embeddings: gather [B, C, COL_DIM] then mean over columns
    col_emb = jnp.take(col_table, col_ids.reshape(-1), axis=0)
    col_emb = col_emb.reshape(col_ids.shape[0], col_ids.shape[1], -1).mean(axis=1)
    # column stats: mean over columns then linear projection
    cs = col_stats.mean(axis=1) @ Wc.T + bc
    # concat and output projection
    z = jnp.concatenate([op_vec, h, pred_flags, col_emb, cs], axis=-1)
    return z @ Wo.T + bo

if __name__ == "__main__":
    import jax
    _d = setup_inputs()
    print(jax.jit(kernel)(*tuple(_d.values())))

</pallas_src>

<mosaic_0001>
#map = affine_map<(d0, d1) -> (0)>
#map1 = affine_map<(d0, d1) -> (0, 0)>
module attributes {stable_mosaic.version = 14 : i64} {
  func.func @colmean(%arg0: i32, %arg1: i32, %arg2: memref<131072xi32, #tpu.memory_space<hbm>>, %arg3: memref<100000x16xf32, #tpu.memory_space<hbm>>, %arg4: memref<16384x16xf32, #tpu.memory_space<hbm>>, %arg5: memref<4096xi32, #tpu.memory_space<vmem>>, %arg6: memref<4096x16xf32, #tpu.memory_space<vmem>>, %arg7: memref<512x16xf32, #tpu.memory_space<vmem>>, %arg8: memref<!tpu.dma_semaphore, #tpu.memory_space<semaphore_mem>>) attributes {dimension_semantics = [#tpu.dimension_semantics<core_parallel>, #tpu.dimension_semantics<subcore_parallel>], iteration_bounds = array<i64: 2, 16>, scalar_prefetch = 0 : i64, scratch_operands = 4 : i64, tpu.core_type = #tpu.core_type<sc_vector_subcore>, window_params = [{transform_indices = #map}, {transform_indices = #map1}, {transform_indices = #map1}]} {
    %mul3A = arith.constant 2 : i32
    %mul3A_0 = arith.muli %arg1, %mul3A : i32
    %add3A = arith.addi %mul3A_0, %arg0 : i32
    %mul3A_1 = arith.constant 512 : i32
    %mul3A_2 = arith.muli %add3A, %mul3A_1 : i32
    %add3A_3 = arith.constant 0 : i32
    %add3A_4 = arith.addi %add3A_3, %mul3A_2 : i32
    "tpu.region"() ({
      %run_scoped3A = tpu.sem_alloc : memref<!tpu.dma_semaphore, #tpu.memory_space<semaphore_mem>>
      %dma_start3A_28 = arith.constant 0 : i32
      %dma_start3A_29 = tpu.memref_slice %arg5[%dma_start3A_28] : memref<4096xi32, #tpu.memory_space<vmem>> -> memref<512xi32, #tpu.memory_space<vmem>>
      %dma_start3A_30 = tpu.memref_slice %arg2[%add3A_4] : memref<131072xi32, #tpu.memory_space<hbm>> -> memref<512xi32, #tpu.memory_space<hbm>>
      %dma_start3A_31 = arith.constant 0 : i32
      %dma_start3A_32 = tpu.memref_slice %arg5[%dma_start3A_31] : memref<4096xi32, #tpu.memory_space<vmem>> -> memref<512xi32, #tpu.memory_space<vmem>>
      %dma_start3A_33 = tpu.memref_slice %arg2[%add3A_4] : memref<131072xi32, #tpu.memory_space<hbm>> -> memref<512xi32, #tpu.memory_space<hbm>>
      tpu.enqueue_dma source(%dma_start3A_33 : memref<512xi32, #tpu.memory_space<hbm>>) target(%dma_start3A_32 : memref<512xi32, #tpu.memory_space<vmem>>) target_semaphore(%run_scoped3A : memref<!tpu.dma_semaphore, #tpu.memory_space<semaphore_mem>>)
      %dma_wait3A_34 = arith.constant 0 : i32
      %dma_wait3A_35 = tpu.memref_slice %arg5[%dma_wait3A_34] : memref<4096xi32, #tpu.memory_space<vmem>> -> memref<512xi32, #tpu.memory_space<vmem>>
      %dma_wait3A_36 = tpu.memref_slice %arg2[%add3A_4] : memref<131072xi32, #tpu.memory_space<hbm>> -> memref<512xi32, #tpu.memory_space<hbm>>
      %dma_wait3A_37 = arith.constant 0 : i32
      %dma_wait3A_38 = tpu.memref_slice %arg5[%dma_wait3A_37] : memref<4096xi32, #tpu.memory_space<vmem>> -> memref<512xi32, #tpu.memory_space<vmem>>
      %dma_wait3A_39 = tpu.memref_slice %arg2[%add3A_4] : memref<131072xi32, #tpu.memory_space<hbm>> -> memref<512xi32, #tpu.memory_space<hbm>>
      tpu.wait_dma2 semaphore(%run_scoped3A : memref<!tpu.dma_semaphore, #tpu.memory_space<semaphore_mem>>) src(%dma_wait3A_39 : memref<512xi32, #tpu.memory_space<hbm>>) dst(%dma_wait3A_38 : memref<512xi32, #tpu.memory_space<vmem>>)
      tpu.yield
    }) : () -> ()
    %add3A_5 = arith.constant 16384 : i32
    %add3A_6 = arith.addi %add3A_5, %mul3A_2 : i32
    "tpu.region"() ({
      %run_scoped3A = tpu.sem_alloc : memref<!tpu.dma_semaphore, #tpu.memory_space<semaphore_mem>>
      %dma_start3A_28 = arith.constant 512 : i32
      %dma_start3A_29 = tpu.memref_slice %arg5[%dma_start3A_28] : memref<4096xi32, #tpu.memory_space<vmem>> -> memref<512xi32, #tpu.memory_space<vmem>>
      %dma_start3A_30 = tpu.memref_slice %arg2[%add3A_6] : memref<131072xi32, #tpu.memory_space<hbm>> -> memref<512xi32, #tpu.memory_space<hbm>>
      %dma_start3A_31 = arith.constant 512 : i32
      %dma_start3A_32 = tpu.memref_slice %arg5[%dma_start3A_31] : memref<4096xi32, #tpu.memory_space<vmem>> -> memref<512xi32, #tpu.memory_space<vmem>>
      %dma_start3A_33 = tpu.memref_slice %arg2[%add3A_6] : memref<131072xi32, #tpu.memory_space<hbm>> -> memref<512xi32, #tpu.memory_space<hbm>>
      tpu.enqueue_dma source(%dma_start3A_33 : memref<512xi32, #tpu.memory_space<hbm>>) target(%dma_start3A_32 : memref<512xi32, #tpu.memory_space<vmem>>) target_semaphore(%run_scoped3A : memref<!tpu.dma_semaphore, #tpu.memory_space<semaphore_mem>>)
      %dma_wait3A_34 = arith.constant 512 : i32
      %dma_wait3A_35 = tpu.memref_slice %arg5[%dma_wait3A_34] : memref<4096xi32, #tpu.memory_space<vmem>> -> memref<512xi32, #tpu.memory_space<vmem>>
      %dma_wait3A_36 = tpu.memref_slice %arg2[%add3A_6] : memref<131072xi32, #tpu.memory_space<hbm>> -> memref<512xi32, #tpu.memory_space<hbm>>
      %dma_wait3A_37 = arith.constant 512 : i32
      %dma_wait3A_38 = tpu.memref_slice %arg5[%dma_wait3A_37] : memref<4096xi32, #tpu.memory_space<vmem>> -> memref<512xi32, #tpu.memory_space<vmem>>
      %dma_wait3A_39 = tpu.memref_slice %arg2[%add3A_6] : memref<131072xi32, #tpu.memory_space<hbm>> -> memref<512xi32, #tpu.memory_space<hbm>>
      tpu.wait_dma2 semaphore(%run_scoped3A : memref<!tpu.dma_semaphore, #tpu.memory_space<semaphore_mem>>) src(%dma_wait3A_39 : memref<512xi32, #tpu.memory_space<hbm>>) dst(%dma_wait3A_38 : memref<512xi32, #tpu.memory_space<vmem>>)
      tpu.yield
    }) : () -> ()
    %add3A_7 = arith.constant 32768 : i32
    %add3A_8 = arith.addi %add3A_7, %mul3A_2 : i32
    "tpu.region"() ({
      %run_scoped3A = tpu.sem_alloc : memref<!tpu.dma_semaphore, #tpu.memory_space<semaphore_mem>>
      %dma_start3A_28 = arith.constant 1024 : i32
      %dma_start3A_29 = tpu.memref_slice %arg5[%dma_start3A_28] : memref<4096xi32, #tpu.memory_space<vmem>> -> memref<512xi32, #tpu.memory_space<vmem>>
      %dma_start3A_30 = tpu.memref_slice %arg2[%add3A_8] : memref<131072xi32, #tpu.memory_space<hbm>> -> memref<512xi32, #tpu.memory_space<hbm>>
      %dma_start3A_31 = arith.constant 1024 : i32
      %dma_start3A_32 = tpu.memref_slice %arg5[%dma_start3A_31] : memref<4096xi32, #tpu.memory_space<vmem>> -> memref<512xi32, #tpu.memory_space<vmem>>
      %dma_start3A_33 = tpu.memref_slice %arg2[%add3A_8] : memref<131072xi32, #tpu.memory_space<hbm>> -> memref<512xi32, #tpu.memory_space<hbm>>
      tpu.enqueue_dma source(%dma_start3A_33 : memref<512xi32, #tpu.memory_space<hbm>>) target(%dma_start3A_32 : memref<512xi32, #tpu.memory_space<vmem>>) target_semaphore(%run_scoped3A : memref<!tpu.dma_semaphore, #tpu.memory_space<semaphore_mem>>)
      %dma_wait3A_34 = arith.constant 1024 : i32
      %dma_wait3A_35 = tpu.memref_slice %arg5[%dma_wait3A_34] : memref<4096xi32, #tpu.memory_space<vmem>> -> memref<512xi32, #tpu.memory_space<vmem>>
      %dma_wait3A_36 = tpu.memref_slice %arg2[%add3A_8] : memref<131072xi32, #tpu.memory_space<hbm>> -> memref<512xi32, #tpu.memory_space<hbm>>
      %dma_wait3A_37 = arith.constant 1024 : i32
      %dma_wait3A_38 = tpu.memref_slice %arg5[%dma_wait3A_37] : memref<4096xi32, #tpu.memory_space<vmem>> -> memref<512xi32, #tpu.memory_space<vmem>>
      %dma_wait3A_39 = tpu.memref_slice %arg2[%add3A_8] : memref<131072xi32, #tpu.memory_space<hbm>> -> memref<512xi32, #tpu.memory_space<hbm>>
      tpu.wait_dma2 semaphore(%run_scoped3A : memref<!tpu.dma_semaphore, #tpu.memory_space<semaphore_mem>>) src(%dma_wait3A_39 : memref<512xi32, #tpu.memory_space<hbm>>) dst(%dma_wait3A_38 : memref<512xi32, #tpu.memory_space<vmem>>)
      tpu.yield
    }) : () -> ()
    %add3A_9 = arith.constant 49152 : i32
    %add3A_10 = arith.addi %add3A_9, %mul3A_2 : i32
    "tpu.region"() ({
      %run_scoped3A = tpu.sem_alloc : memref<!tpu.dma_semaphore, #tpu.memory_space<semaphore_mem>>
      %dma_start3A_28 = arith.constant 1536 : i32
      %dma_start3A_29 = tpu.memref_slice %arg5[%dma_start3A_28] : memref<4096xi32, #tpu.memory_space<vmem>> -> memref<512xi32, #tpu.memory_space<vmem>>
      %dma_start3A_30 = tpu.memref_slice %arg2[%add3A_10] : memref<131072xi32, #tpu.memory_space<hbm>> -> memref<512xi32, #tpu.memory_space<hbm>>
      %dma_start3A_31 = arith.constant 1536 : i32
      %dma_start3A_32 = tpu.memref_slice %arg5[%dma_start3A_31] : memref<4096xi32, #tpu.memory_space<vmem>> -> memref<512xi32, #tpu.memory_space<vmem>>
      %dma_start3A_33 = tpu.memref_slice %arg2[%add3A_10] : memref<131072xi32, #tpu.memory_space<hbm>> -> memref<512xi32, #tpu.memory_space<hbm>>
      tpu.enqueue_dma source(%dma_start3A_33 : memref<512xi32, #tpu.memory_space<hbm>>) target(%dma_start3A_32 : memref<512xi32, #tpu.memory_space<vmem>>) target_semaphore(%run_scoped3A : memref<!tpu.dma_semaphore, #tpu.memory_space<semaphore_mem>>)
      %dma_wait3A_34 = arith.constant 1536 : i32
      %dma_wait3A_35 = tpu.memref_slice %arg5[%dma_wait3A_34] : memref<4096xi32, #tpu.memory_space<vmem>> -> memref<512xi32, #tpu.memory_space<vmem>>
      %dma_wait3A_36 = tpu.memref_slice %arg2[%add3A_10] : memref<131072xi32, #tpu.memory_space<hbm>> -> memref<512xi32, #tpu.memory_space<hbm>>
      %dma_wait3A_37 = arith.constant 1536 : i32
      %dma_wait3A_38 = tpu.memref_slice %arg5[%dma_wait3A_37] : memref<4096xi32, #tpu.memory_space<vmem>> -> memref<512xi32, #tpu.memory_space<vmem>>
      %dma_wait3A_39 = tpu.memref_slice %arg2[%add3A_10] : memref<131072xi32, #tpu.memory_space<hbm>> -> memref<512xi32, #tpu.memory_space<hbm>>
      tpu.wait_dma2 semaphore(%run_scoped3A : memref<!tpu.dma_semaphore, #tpu.memory_space<semaphore_mem>>) src(%dma_wait3A_39 : memref<512xi32, #tpu.memory_space<hbm>>) dst(%dma_wait3A_38 : memref<512xi32, #tpu.memory_space<vmem>>)
      tpu.yield
    }) : () -> ()
    %add3A_11 = arith.constant 65536 : i32
    %add3A_12 = arith.addi %add3A_11, %mul3A_2 : i32
    "tpu.region"() ({
      %run_scoped3A = tpu.sem_alloc : memref<!tpu.dma_semaphore, #tpu.memory_space<semaphore_mem>>
      %dma_start3A_28 = arith.constant 2048 : i32
      %dma_start3A_29 = tpu.memref_slice %arg5[%dma_start3A_28] : memref<4096xi32, #tpu.memory_space<vmem>> -> memref<512xi32, #tpu.memory_space<vmem>>
      %dma_start3A_30 = tpu.memref_slice %arg2[%add3A_12] : memref<131072xi32, #tpu.memory_space<hbm>> -> memref<512xi32, #tpu.memory_space<hbm>>
      %dma_start3A_31 = arith.constant 2048 : i32
      %dma_start3A_32 = tpu.memref_slice %arg5[%dma_start3A_31] : memref<4096xi32, #tpu.memory_space<vmem>> -> memref<512xi32, #tpu.memory_space<vmem>>
      %dma_start3A_33 = tpu.memref_slice %arg2[%add3A_12] : memref<131072xi32, #tpu.memory_space<hbm>> -> memref<512xi32, #tpu.memory_space<hbm>>
      tpu.enqueue_dma source(%dma_start3A_33 : memref<512xi32, #tpu.memory_space<hbm>>) target(%dma_start3A_32 : memref<512xi32, #tpu.memory_space<vmem>>) target_semaphore(%run_scoped3A : memref<!tpu.dma_semaphore, #tpu.memory_space<semaphore_mem>>)
      %dma_wait3A_34 = arith.constant 2048 : i32
      %dma_wait3A_35 = tpu.memref_slice %arg5[%dma_wait3A_34] : memref<4096xi32, #tpu.memory_space<vmem>> -> memref<512xi32, #tpu.memory_space<vmem>>
      %dma_wait3A_36 = tpu.memref_slice %arg2[%add3A_12] : memref<131072xi32, #tpu.memory_space<hbm>> -> memref<512xi32, #tpu.memory_space<hbm>>
      %dma_wait3A_37 = arith.constant 2048 : i32
      %dma_wait3A_38 = tpu.memref_slice %arg5[%dma_wait3A_37] : memref<4096xi32, #tpu.memory_space<vmem>> -> memref<512xi32, #tpu.memory_space<vmem>>
      %dma_wait3A_39 = tpu.memref_slice %arg2[%add3A_12] : memref<131072xi32, #tpu.memory_space<hbm>> -> memref<512xi32, #tpu.memory_space<hbm>>
      tpu.wait_dma2 semaphore(%run_scoped3A : memref<!tpu.dma_semaphore, #tpu.memory_space<semaphore_mem>>) src(%dma_wait3A_39 : memref<512xi32, #tpu.memory_space<hbm>>) dst(%dma_wait3A_38 : memref<512xi32, #tpu.memory_space<vmem>>)
      tpu.yield
    }) : () -> ()
    %add3A_13 = arith.constant 81920 : i32
    %add3A_14 = arith.addi %add3A_13, %mul3A_2 : i32
    "tpu.region"() ({
      %run_scoped3A = tpu.sem_alloc : memref<!tpu.dma_semaphore, #tpu.memory_space<semaphore_mem>>
      %dma_start3A_28 = arith.constant 2560 : i32
      %dma_start3A_29 = tpu.memref_slice %arg5[%dma_start3A_28] : memref<4096xi32, #tpu.memory_space<vmem>> -> memref<512xi32, #tpu.memory_space<vmem>>
      %dma_start3A_30 = tpu.memref_slice %arg2[%add3A_14] : memref<131072xi32, #tpu.memory_space<hbm>> -> memref<512xi32, #tpu.memory_space<hbm>>
      %dma_start3A_31 = arith.constant 2560 : i32
      %dma_start3A_32 = tpu.memref_slice %arg5[%dma_start3A_31] : memref<4096xi32, #tpu.memory_space<vmem>> -> memref<512xi32, #tpu.memory_space<vmem>>
      %dma_start3A_33 = tpu.memref_slice %arg2[%add3A_14] : memref<131072xi32, #tpu.memory_space<hbm>> -> memref<512xi32, #tpu.memory_space<hbm>>
      tpu.enqueue_dma source(%dma_start3A_33 : memref<512xi32, #tpu.memory_space<hbm>>) target(%dma_start3A_32 : memref<512xi32, #tpu.memory_space<vmem>>) target_semaphore(%run_scoped3A : memref<!tpu.dma_semaphore, #tpu.memory_space<semaphore_mem>>)
      %dma_wait3A_34 = arith.constant 2560 : i32
      %dma_wait3A_35 = tpu.memref_slice %arg5[%dma_wait3A_34] : memref<4096xi32, #tpu.memory_space<vmem>> -> memref<512xi32, #tpu.memory_space<vmem>>
      %dma_wait3A_36 = tpu.memref_slice %arg2[%add3A_14] : memref<131072xi32, #tpu.memory_space<hbm>> -> memref<512xi32, #tpu.memory_space<hbm>>
      %dma_wait3A_37 = arith.constant 2560 : i32
      %dma_wait3A_38 = tpu.memref_slice %arg5[%dma_wait3A_37] : memref<4096xi32, #tpu.memory_space<vmem>> -> memref<512xi32, #tpu.memory_space<vmem>>
      %dma_wait3A_39 = tpu.memref_slice %arg2[%add3A_14] : memref<131072xi32, #tpu.memory_space<hbm>> -> memref<512xi32, #tpu.memory_space<hbm>>
      tpu.wait_dma2 semaphore(%run_scoped3A : memref<!tpu.dma_semaphore, #tpu.memory_space<semaphore_mem>>) src(%dma_wait3A_39 : memref<512xi32, #tpu.memory_space<hbm>>) dst(%dma_wait3A_38 : memref<512xi32, #tpu.memory_space<vmem>>)
      tpu.yield
    }) : () -> ()
    %add3A_15 = arith.constant 98304 : i32
    %add3A_16 = arith.addi %add3A_15, %mul3A_2 : i32
    "tpu.region"() ({
      %run_scoped3A = tpu.sem_alloc : memref<!tpu.dma_semaphore, #tpu.memory_space<semaphore_mem>>
      %dma_start3A_28 = arith.constant 3072 : i32
      %dma_start3A_29 = tpu.memref_slice %arg5[%dma_start3A_28] : memref<4096xi32, #tpu.memory_space<vmem>> -> memref<512xi32, #tpu.memory_space<vmem>>
      %dma_start3A_30 = tpu.memref_slice %arg2[%add3A_16] : memref<131072xi32, #tpu.memory_space<hbm>> -> memref<512xi32, #tpu.memory_space<hbm>>
      %dma_start3A_31 = arith.constant 3072 : i32
      %dma_start3A_32 = tpu.memref_slice %arg5[%dma_start3A_31] : memref<4096xi32, #tpu.memory_space<vmem>> -> memref<512xi32, #tpu.memory_space<vmem>>
      %dma_start3A_33 = tpu.memref_slice %arg2[%add3A_16] : memref<131072xi32, #tpu.memory_space<hbm>> -> memref<512xi32, #tpu.memory_space<hbm>>
      tpu.enqueue_dma source(%dma_start3A_33 : memref<512xi32, #tpu.memory_space<hbm>>) target(%dma_start3A_32 : memref<512xi32, #tpu.memory_space<vmem>>) target_semaphore(%run_scoped3A : memref<!tpu.dma_semaphore, #tpu.memory_space<semaphore_mem>>)
      %dma_wait3A_34 = arith.constant 3072 : i32
      %dma_wait3A_35 = tpu.memref_slice %arg5[%dma_wait3A_34] : memref<4096xi32, #tpu.memory_space<vmem>> -> memref<512xi32, #tpu.memory_space<vmem>>
      %dma_wait3A_36 = tpu.memref_slice %arg2[%add3A_16] : memref<131072xi32, #tpu.memory_space<hbm>> -> memref<512xi32, #tpu.memory_space<hbm>>
      %dma_wait3A_37 = arith.constant 3072 : i32
      %dma_wait3A_38 = tpu.memref_slice %arg5[%dma_wait3A_37] : memref<4096xi32, #tpu.memory_space<vmem>> -> memref<512xi32, #tpu.memory_space<vmem>>
      %dma_wait3A_39 = tpu.memref_slice %arg2[%add3A_16] : memref<131072xi32, #tpu.memory_space<hbm>> -> memref<512xi32, #tpu.memory_space<hbm>>
      tpu.wait_dma2 semaphore(%run_scoped3A : memref<!tpu.dma_semaphore, #tpu.memory_space<semaphore_mem>>) src(%dma_wait3A_39 : memref<512xi32, #tpu.memory_space<hbm>>) dst(%dma_wait3A_38 : memref<512xi32, #tpu.memory_space<vmem>>)
      tpu.yield
    }) : () -> ()
    %add3A_17 = arith.constant 114688 : i32
    %add3A_18 = arith.addi %add3A_17, %mul3A_2 : i32
    "tpu.region"() ({
      %run_scoped3A = tpu.sem_alloc : memref<!tpu.dma_semaphore, #tpu.memory_space<semaphore_mem>>
      %dma_start3A_28 = arith.constant 3584 : i32
      %dma_start3A_29 = tpu.memref_slice %arg5[%dma_start3A_28] : memref<4096xi32, #tpu.memory_space<vmem>> -> memref<512xi32, #tpu.memory_space<vmem>>
      %dma_start3A_30 = tpu.memref_slice %arg2[%add3A_18] : memref<131072xi32, #tpu.memory_space<hbm>> -> memref<512xi32, #tpu.memory_space<hbm>>
      %dma_start3A_31 = arith.constant 3584 : i32
      %dma_start3A_32 = tpu.memref_slice %arg5[%dma_start3A_31] : memref<4096xi32, #tpu.memory_space<vmem>> -> memref<512xi32, #tpu.memory_space<vmem>>
      %dma_start3A_33 = tpu.memref_slice %arg2[%add3A_18] : memref<131072xi32, #tpu.memory_space<hbm>> -> memref<512xi32, #tpu.memory_space<hbm>>
      tpu.enqueue_dma source(%dma_start3A_33 : memref<512xi32, #tpu.memory_space<hbm>>) target(%dma_start3A_32 : memref<512xi32, #tpu.memory_space<vmem>>) target_semaphore(%run_scoped3A : memref<!tpu.dma_semaphore, #tpu.memory_space<semaphore_mem>>)
      %dma_wait3A_34 = arith.constant 3584 : i32
      %dma_wait3A_35 = tpu.memref_slice %arg5[%dma_wait3A_34] : memref<4096xi32, #tpu.memory_space<vmem>> -> memref<512xi32, #tpu.memory_space<vmem>>
      %dma_wait3A_36 = tpu.memref_slice %arg2[%add3A_18] : memref<131072xi32, #tpu.memory_space<hbm>> -> memref<512xi32, #tpu.memory_space<hbm>>
      %dma_wait3A_37 = arith.constant 3584 : i32
      %dma_wait3A_38 = tpu.memref_slice %arg5[%dma_wait3A_37] : memref<4096xi32, #tpu.memory_space<vmem>> -> memref<512xi32, #tpu.memory_space<vmem>>
      %dma_wait3A_39 = tpu.memref_slice %arg2[%add3A_18] : memref<131072xi32, #tpu.memory_space<hbm>> -> memref<512xi32, #tpu.memory_space<hbm>>
      tpu.wait_dma2 semaphore(%run_scoped3A : memref<!tpu.dma_semaphore, #tpu.memory_space<semaphore_mem>>) src(%dma_wait3A_39 : memref<512xi32, #tpu.memory_space<hbm>>) dst(%dma_wait3A_38 : memref<512xi32, #tpu.memory_space<vmem>>)
      tpu.yield
    }) : () -> ()
    %dma_start3A = arith.constant 0 : i32
    %dma_start3A_19 = arith.constant 0 : i32
    %dma_start3A_20 = tpu.memref_slice %arg3[%dma_start3A, %dma_start3A_19] : memref<100000x16xf32, #tpu.memory_space<hbm>> -> memref<100000x16xf32, #tpu.memory_space<hbm>>
    tpu.enqueue_indirect_dma source(%dma_start3A_20 : memref<100000x16xf32, #tpu.memory_space<hbm>>) target(%arg6 : memref<4096x16xf32, #tpu.memory_space<vmem>>) offsets(%arg5 : memref<4096xi32, #tpu.memory_space<vmem>>) semaphore(%arg8 : memref<!tpu.dma_semaphore, #tpu.memory_space<semaphore_mem>>)
    %dma_wait3A = arith.constant 0 : i32
    %dma_wait3A_21 = arith.constant 0 : i32
    %dma_wait3A_22 = tpu.memref_slice %arg3[%dma_wait3A, %dma_wait3A_21] : memref<100000x16xf32, #tpu.memory_space<hbm>> -> memref<100000x16xf32, #tpu.memory_space<hbm>>
    tpu.wait_indirect_dma semaphore(%arg8 : memref<!tpu.dma_semaphore, #tpu.memory_space<semaphore_mem>>) src(%dma_wait3A_22 : memref<100000x16xf32, #tpu.memory_space<hbm>>) dst(%arg6 : memref<4096x16xf32, #tpu.memory_space<vmem>>)
    %scan3A = arith.constant 0 : i32
    %scan3A_23 = arith.constant 0 : i32
    %scan3A_24 = arith.constant 512 : i32
    %scan3A_25 = arith.addi %scan3A_23, %scan3A_24 : i32
    %scan3A_26 = arith.constant 1 : i32
    scf.for %scan3A_28 = %scan3A_23 to %scan3A_25 step %scan3A_26  : i32 {
      %get3A = arith.index_cast %scan3A_28 : i32 to index
      %get3A_29 = arith.constant 0 : index
      %get3A_30 = tpu.vector_load %arg6[%get3A, %get3A_29] {strides = array<i32>} : memref<4096x16xf32, #tpu.memory_space<vmem>>, vector<1x16xf32>,
      %get3A_31 = vector.shape_cast %get3A_30 : vector<1x16xf32> to vector<16xf32>
      %add3A_32 = arith.constant 512 : i32
      %add3A_33 = arith.addi %add3A_32, %scan3A_28 : i32
      %get3A_34 = arith.index_cast %add3A_33 : i32 to index
      %get3A_35 = arith.constant 0 : index
      %get3A_36 = tpu.vector_load %arg6[%get3A_34, %get3A_35] {strides = array<i32>} : memref<4096x16xf32, #tpu.memory_space<vmem>>, vector<1x16xf32>,
      %get3A_37 = vector.shape_cast %get3A_36 : vector<1x16xf32> to vector<16xf32>
      %add3A_38 = arith.addf %get3A_31, %get3A_37 : vector<16xf32>
      %add3A_39 = arith.constant 1024 : i32
      %add3A_40 = arith.addi %add3A_39, %scan3A_28 : i32
      %get3A_41 = arith.index_cast %add3A_40 : i32 to index
      %get3A_42 = arith.constant 0 : index
      %get3A_43 = tpu.vector_load %arg6[%get3A_41, %get3A_42] {strides = array<i32>} : memref<4096x16xf32, #tpu.memory_space<vmem>>, vector<1x16xf32>,
      %get3A_44 = vector.shape_cast %get3A_43 : vector<1x16xf32> to vector<16xf32>
      %add3A_45 = arith.addf %add3A_38, %get3A_44 : vector<16xf32>
      %add3A_46 = arith.constant 1536 : i32
      %add3A_47 = arith.addi %add3A_46, %scan3A_28 : i32
      %get3A_48 = arith.index_cast %add3A_47 : i32 to index
      %get3A_49 = arith.constant 0 : index
      %get3A_50 = tpu.vector_load %arg6[%get3A_48, %get3A_49] {strides = array<i32>} : memref<4096x16xf32, #tpu.memory_space<vmem>>, vector<1x16xf32>,
      %get3A_51 = vector.shape_cast %get3A_50 : vector<1x16xf32> to vector<16xf32>
      %add3A_52 = arith.addf %add3A_45, %get3A_51 : vector<16xf32>
      %add3A_53 = arith.constant 2048 : i32
      %add3A_54 = arith.addi %add3A_53, %scan3A_28 : i32
      %get3A_55 = arith.index_cast %add3A_54 : i32 to index
      %get3A_56 = arith.constant 0 : index
      %get3A_57 = tpu.vector_load %arg6[%get3A_55, %get3A_56] {strides = array<i32>} : memref<4096x16xf32, #tpu.memory_space<vmem>>, vector<1x16xf32>,
      %get3A_58 = vector.shape_cast %get3A_57 : vector<1x16xf32> to vector<16xf32>
      %add3A_59 = arith.addf %add3A_52, %get3A_58 : vector<16xf32>
      %add3A_60 = arith.constant 2560 : i32
      %add3A_61 = arith.addi %add3A_60, %scan3A_28 : i32
      %get3A_62 = arith.index_cast %add3A_61 : i32 to index
      %get3A_63 = arith.constant 0 : index
      %get3A_64 = tpu.vector_load %arg6[%get3A_62, %get3A_63] {strides = array<i32>} : memref<4096x16xf32, #tpu.memory_space<vmem>>, vector<1x16xf32>,
      %get3A_65 = vector.shape_cast %get3A_64 : vector<1x16xf32> to vector<16xf32>
      %add3A_66 = arith.addf %add3A_59, %get3A_65 : vector<16xf32>
      %add3A_67 = arith.constant 3072 : i32
      %add3A_68 = arith.addi %add3A_67, %scan3A_28 : i32
      %get3A_69 = arith.index_cast %add3A_68 : i32 to index
      %get3A_70 = arith.constant 0 : index
      %get3A_71 = tpu.vector_load %arg6[%get3A_69, %get3A_70] {strides = array<i32>} : memref<4096x16xf32, #tpu.memory_space<vmem>>, vector<1x16xf32>,
      %get3A_72 = vector.shape_cast %get3A_71 : vector<1x16xf32> to vector<16xf32>
      %add3A_73 = arith.addf %add3A_66, %get3A_72 : vector<16xf32>
      %add3A_74 = arith.constant 3584 : i32
      %add3A_75 = arith.addi %add3A_74, %scan3A_28 : i32
      %get3A_76 = arith.index_cast %add3A_75 : i32 to index
      %get3A_77 = arith.constant 0 : index
      %get3A_78 = tpu.vector_load %arg6[%get3A_76, %get3A_77] {strides = array<i32>} : memref<4096x16xf32, #tpu.memory_space<vmem>>, vector<1x16xf32>,
      %get3A_79 = vector.shape_cast %get3A_78 : vector<1x16xf32> to vector<16xf32>
      %add3A_80 = arith.addf %add3A_73, %get3A_79 : vector<16xf32>
      %mul3A_81 = arith.constant 1.250000e-01 : f32
      %mul3A_82 = vector.broadcast %mul3A_81 : f32 to vector<16xf32>
      %mul3A_83 = arith.mulf %add3A_80, %mul3A_82 : vector<16xf32>
      %swap3A = arith.index_cast %scan3A_28 : i32 to index
      %swap3A_84 = arith.constant 0 : index
      %swap3A_85 = tpu.vector_load %arg7[%swap3A, %swap3A_84] {strides = array<i32>} : memref<512x16xf32, #tpu.memory_space<vmem>>, vector<1x16xf32>,
      %swap3A_86 = vector.shape_cast %swap3A_85 : vector<1x16xf32> to vector<16xf32>
      %swap3A_87 = vector.shape_cast %mul3A_83 : vector<16xf32> to vector<1x16xf32>
      tpu.vector_store %arg7[%swap3A, %swap3A_84], %swap3A_87 {strides = array<i32>} : memref<512x16xf32, #tpu.memory_space<vmem>>, vector<1x16xf32>,
    }
    %scan3A_27 = arith.constant 512 : i32
    "tpu.region"() ({
      %run_scoped3A = tpu.sem_alloc : memref<!tpu.dma_semaphore, #tpu.memory_space<semaphore_mem>>
      %dma_start3A_28 = arith.constant 0 : i32
      %dma_start3A_29 = tpu.memref_slice %arg4[%mul3A_2, %dma_start3A_28] : memref<16384x16xf32, #tpu.memory_space<hbm>> -> memref<512x16xf32, #tpu.memory_space<hbm>>
      %dma_start3A_30 = arith.constant 0 : i32
      %dma_start3A_31 = tpu.memref_slice %arg4[%mul3A_2, %dma_start3A_30] : memref<16384x16xf32, #tpu.memory_space<hbm>> -> memref<512x16xf32, #tpu.memory_space<hbm>>
      tpu.enqueue_dma source(%arg7 : memref<512x16xf32, #tpu.memory_space<vmem>>) target(%dma_start3A_31 : memref<512x16xf32, #tpu.memory_space<hbm>>) target_semaphore(%run_scoped3A : memref<!tpu.dma_semaphore, #tpu.memory_space<semaphore_mem>>)
      %dma_wait3A_32 = arith.constant 0 : i32
      %dma_wait3A_33 = tpu.memref_slice %arg4[%mul3A_2, %dma_wait3A_32] : memref<16384x16xf32, #tpu.memory_space<hbm>> -> memref<512x16xf32, #tpu.memory_space<hbm>>
      %dma_wait3A_34 = arith.constant 0 : i32
      %dma_wait3A_35 = tpu.memref_slice %arg4[%mul3A_2, %dma_wait3A_34] : memref<16384x16xf32, #tpu.memory_space<hbm>> -> memref<512x16xf32, #tpu.memory_space<hbm>>
      tpu.wait_dma2 semaphore(%run_scoped3A : memref<!tpu.dma_semaphore, #tpu.memory_space<semaphore_mem>>) src(%arg7 : memref<512x16xf32, #tpu.memory_space<vmem>>) dst(%dma_wait3A_35 : memref<512x16xf32, #tpu.memory_space<hbm>>)
      tpu.yield
    }) : () -> ()
    return
  }
}

module attributes {stable_mosaic.version = 14 : i64} {
  func.func @_combine_body(%arg0: i32, %arg1: memref<64x8192xf32, #tpu.memory_space<vmem>>, %arg2: memref<8192x16xf32, #tpu.memory_space<vmem>>, %arg3: memref<64x80xf32, #tpu.memory_space<vmem>>, %arg4: memref<64x8192xf32, #tpu.memory_space<vmem>>) attributes {dimension_semantics = [#tpu.dimension_semantics<arbitrary>], iteration_bounds = array<i64: 2>, scalar_prefetch = 0 : i64, scratch_operands = 0 : i64, tpu.core_type = #tpu.core_type<tc>, window_params = [{transform_indices = @transform_0, window_bounds = array<i64: 64, 8192>}, {transform_indices = @transform_1, window_bounds = array<i64: 8192, 16>}, {pipeline_mode = #tpu.pipeline_mode<synchronous>, transform_indices = @transform_2, window_bounds = array<i64: 64, 80>}, {transform_indices = @transform_3, window_bounds = array<i64: 64, 8192>}]} {
    %get3A = arith.constant 0 : index
    %get3A_0 = arith.constant 0 : index
    %get3A_1 = vector.load %arg2[%get3A, %get3A_0] : memref<8192x16xf32, #tpu.memory_space<vmem>>, vector<8192x16xf32>
    %transpose3A = tpu.transpose %get3A_1, [1, 0] : vector<8192x16xf32> -> vector<16x8192xf32>
    %get3A_2 = arith.constant 0 : index
    %get3A_3 = arith.constant 0 : index
    %get3A_4 = vector.load %arg1[%get3A_2, %get3A_3] : memref<64x8192xf32, #tpu.memory_space<vmem>>, vector<64x8192xf32>
    %get3A_5 = arith.constant 0 : index
    %get3A_6 = arith.constant 0 : index
    %get3A_7 = vector.load %arg3[%get3A_5, %get3A_6] : memref<64x80xf32, #tpu.memory_space<vmem>>, vector<64x80xf32>
    %slice3A = vector.extract_strided_slice %get3A_7 {offsets = [0, 56], sizes = [64, 16], strides = [1, 1]} : vector<64x80xf32> to vector<64x16xf32>
    %dot_general3A = arith.constant dense<0.000000e+00> : vector<64x8192xf32>
    %dot_general3A_8 = tpu.matmul %slice3A, %transpose3A, %dot_general3A {dimension_numbers = #tpu.dot_dimension_numbers<[1], [0], [0], [1], [0, 0, 1, 1], [], []>, transpose_lhs_hint = false} : vector<64x16xf32>, vector<16x8192xf32>, vector<64x8192xf32> -> vector<64x8192xf32>
    %add3A = arith.addf %get3A_4, %dot_general3A_8 : vector<64x8192xf32>
    %swap3A = arith.constant 0 : index
    %swap3A_9 = arith.constant 0 : index
    %swap3A_10 = vector.load %arg4[%swap3A, %swap3A_9] : memref<64x8192xf32, #tpu.memory_space<vmem>>, vector<64x8192xf32>
    tpu.vector_store %arg4[%swap3A, %swap3A_9], %add3A {strides = array<i32>} : memref<64x8192xf32, #tpu.memory_space<vmem>>, vector<64x8192xf32>,
    return
  }
  func.func @transform_0(%arg0: i32) -> (i32, i32) {
    %c0_i32 = arith.constant 0 : i32
    %c0_i32_0 = arith.constant 0 : i32
    return %c0_i32, %arg0 : i32, i32
  }
  func.func @transform_1(%arg0: i32) -> (i32, i32) {
    %c0_i32 = arith.constant 0 : i32
    %c0_i32_0 = arith.constant 0 : i32
    return %arg0, %c0_i32 : i32, i32
  }
  func.func @transform_2(%arg0: i32) -> (i32, i32) {
    %c0_i32 = arith.constant 0 : i32
    %c0_i32_0 = arith.constant 0 : i32
    %c0_i32_1 = arith.constant 0 : i32
    return %c0_i32, %c0_i32_0 : i32, i32
  }
  func.func @transform_3(%arg0: i32) -> (i32, i32) {
    %c0_i32 = arith.constant 0 : i32
    %c0_i32_0 = arith.constant 0 : i32
    return %c0_i32, %arg0 : i32, i32
  }
}

module attributes {stable_mosaic.version = 14 : i64} {
  func.func @_dense_body(%arg0: i32, %arg1: memref<8192xi32, #tpu.memory_space<vmem>>, %arg2: memref<4x8192xf32, #tpu.memory_space<vmem>>, %arg3: memref<8x8192xf32, #tpu.memory_space<vmem>>, %arg4: memref<8x4x8192xf32, #tpu.memory_space<vmem>>, %arg5: memref<32x64xf32, #tpu.memory_space<vmem>>, %arg6: memref<16x4xf32, #tpu.memory_space<vmem>>, %arg7: memref<16x1xf32, #tpu.memory_space<vmem>>, %arg8: memref<16x16xf32, #tpu.memory_space<vmem>>, %arg9: memref<16x1xf32, #tpu.memory_space<vmem>>, %arg10: memref<8x4xf32, #tpu.memory_space<vmem>>, %arg11: memref<8x1xf32, #tpu.memory_space<vmem>>, %arg12: memref<64x80xf32, #tpu.memory_space<vmem>>, %arg13: memref<64x1xf32, #tpu.memory_space<vmem>>, %arg14: memref<64x8192xf32, #tpu.memory_space<vmem>>) attributes {dimension_semantics = [#tpu.dimension_semantics<arbitrary>], iteration_bounds = array<i64: 2>, scalar_prefetch = 0 : i64, scratch_operands = 0 : i64, tpu.core_type = #tpu.core_type<tc>, window_params = [{transform_indices = @transform_0, window_bounds = array<i64: 8192>}, {transform_indices = @transform_1, window_bounds = array<i64: 4, 8192>}, {transform_indices = @transform_2, window_bounds = array<i64: 8, 8192>}, {transform_indices = @transform_3, window_bounds = array<i64: 8, 4, 8192>}, {pipeline_mode = #tpu.pipeline_mode<synchronous>, transform_indices = @transform_4, window_bounds = array<i64: 32, 64>}, {pipeline_mode = #tpu.pipeline_mode<synchronous>, transform_indices = @transform_5, window_bounds = array<i64: 16, 4>}, {pipeline_mode = #tpu.pipeline_mode<synchronous>, transform_indices = @transform_6, window_bounds = array<i64: 16, 1>}, {pipeline_mode = #tpu.pipeline_mode<synchronous>, transform_indices = @transform_7, window_bounds = array<i64: 16, 16>}, {pipeline_mode = #tpu.pipeline_mode<synchronous>, transform_indices = @transform_8, window_bounds = array<i64: 16, 1>}, {pipeline_mode = #tpu.pipeline_mode<synchronous>, transform_indices = @transform_9, window_bounds = array<i64: 8, 4>}, {pipeline_mode = #tpu.pipeline_mode<synchronous>, transform_indices = @transform_10, window_bounds = array<i64: 8, 1>}, {pipeline_mode = #tpu.pipeline_mode<synchronous>, transform_indices = @transform_11, window_bounds = array<i64: 64, 80>}, {pipeline_mode = #tpu.pipeline_mode<synchronous>, transform_indices = @transform_12, window_bounds = array<i64: 64, 1>}, {transform_indices = @transform_13, window_bounds = array<i64: 64, 8192>}]} {
    %get3A = arith.constant 0 : index
    %get3A_0 = arith.constant 0 : index
    %get3A_1 = vector.load %arg12[%get3A, %get3A_0] : memref<64x80xf32, #tpu.memory_space<vmem>>, vector<64x80xf32>
    %get3A_2 = arith.constant 0 : index
    %get3A_3 = vector.load %arg1[%get3A_2] : memref<8192xi32, #tpu.memory_space<vmem>>, vector<8192xi32>
    %broadcast_in_dim3A = vector.shape_cast %get3A_3 : vector<8192xi32> to vector<1x8192xi32>
    %broadcast_in_dim3A_4 = vector.broadcast %broadcast_in_dim3A : vector<1x8192xi32> to vector<64x8192xi32>
    %iota3A = tpu.iota {dimensions = array<i32: 0>} : vector<64x8192xi32>
    %eq3A = arith.cmpi eq, %iota3A, %broadcast_in_dim3A_4 : vector<64x8192xi32>
    %convert_element_type3A = arith.extui %eq3A : vector<64x8192xi1> to vector<64x8192xi32>
    %convert_element_type3A_5 = arith.sitofp %convert_element_type3A : vector<64x8192xi32> to vector<64x8192xf32>
    %get3A_6 = arith.constant 0 : index
    %get3A_7 = arith.constant 0 : index
    %get3A_8 = vector.load %arg5[%get3A_6, %get3A_7] : memref<32x64xf32, #tpu.memory_space<vmem>>, vector<32x64xf32>
    %dot_general3A = arith.constant dense<0.000000e+00> : vector<32x8192xf32>
    %dot_general3A_9 = tpu.matmul %get3A_8, %convert_element_type3A_5, %dot_general3A {dimension_numbers = #tpu.dot_dimension_numbers<[1], [0], [0], [1], [0, 0, 1, 1], [], []>, transpose_lhs_hint = false} : vector<32x64xf32>, vector<64x8192xf32>, vector<32x8192xf32> -> vector<32x8192xf32>
    %get3A_10 = arith.constant 0 : index
    %get3A_11 = arith.constant 0 : index
    %get3A_12 = vector.load %arg6[%get3A_10, %get3A_11] : memref<16x4xf32, #tpu.memory_space<vmem>>, vector<16x4xf32>
    %get3A_13 = arith.constant 0 : index
    %get3A_14 = arith.constant 0 : index
    %get3A_15 = vector.load %arg2[%get3A_13, %get3A_14] : memref<4x8192xf32, #tpu.memory_space<vmem>>, vector<4x8192xf32>
    %dot_general3A_16 = arith.constant dense<0.000000e+00> : vector<16x8192xf32>
    %dot_general3A_17 = tpu.matmul %get3A_12, %get3A_15, %dot_general3A_16 {dimension_numbers = #tpu.dot_dimension_numbers<[1], [0], [0], [1], [0, 0, 1, 1], [], []>, transpose_lhs_hint = false} : vector<16x4xf32>, vector<4x8192xf32>, vector<16x8192xf32> -> vector<16x8192xf32>
    %get3A_18 = arith.constant 0 : index
    %get3A_19 = arith.constant 0 : index
    %get3A_20 = vector.load %arg7[%get3A_18, %get3A_19] : memref<16x1xf32, #tpu.memory_space<vmem>>, vector<16x1xf32>
    %add3A = vector.broadcast %get3A_20 : vector<16x1xf32> to vector<16x8192xf32>
    %add3A_21 = arith.addf %dot_general3A_17, %add3A : vector<16x8192xf32>
    %max3A = arith.constant 0.000000e+00 : f32
    %max3A_22 = vector.broadcast %max3A : f32 to vector<16x8192xf32>
    %max3A_23 = arith.maximumf %add3A_21, %max3A_22 : vector<16x8192xf32>
    %get3A_24 = arith.constant 0 : index
    %get3A_25 = arith.constant 0 : index
    %get3A_26 = vector.load %arg8[%get3A_24, %get3A_25] : memref<16x16xf32, #tpu.memory_space<vmem>>, vector<16x16xf32>
    %dot_general3A_27 = arith.constant dense<0.000000e+00> : vector<16x8192xf32>
    %dot_general3A_28 = tpu.matmul %get3A_26, %max3A_23, %dot_general3A_27 {dimension_numbers = #tpu.dot_dimension_numbers<[1], [0], [0], [1], [0, 0, 1, 1], [], []>, transpose_lhs_hint = false} : vector<16x16xf32>, vector<16x8192xf32>, vector<16x8192xf32> -> vector<16x8192xf32>
    %get3A_29 = arith.constant 0 : index
    %get3A_30 = arith.constant 0 : index
    %get3A_31 = vector.load %arg9[%get3A_29, %get3A_30] : memref<16x1xf32, #tpu.memory_space<vmem>>, vector<16x1xf32>
    %add3A_32 = vector.broadcast %get3A_31 : vector<16x1xf32> to vector<16x8192xf32>
    %add3A_33 = arith.addf %dot_general3A_28, %add3A_32 : vector<16x8192xf32>
    %get3A_34 = arith.constant 0 : index
    %get3A_35 = arith.constant 0 : index
    %get3A_36 = arith.constant 0 : index
    %get3A_37 = vector.load %arg4[%get3A_34, %get3A_35, %get3A_36] : memref<8x4x8192xf32, #tpu.memory_space<vmem>>, vector<8x4x8192xf32>
    %reduce_sum3A = arith.constant dense<0.000000e+00> : vector<4x8192xf32>
    %reduce_sum3A_38 = vector.multi_reduction <add>, %get3A_37, %reduce_sum3A [0] : vector<8x4x8192xf32> to vector<4x8192xf32>
    %mul3A = arith.constant 1.250000e-01 : f32
    %mul3A_39 = vector.broadcast %mul3A : f32 to vector<4x8192xf32>
    %mul3A_40 = arith.mulf %reduce_sum3A_38, %mul3A_39 : vector<4x8192xf32>
    %get3A_41 = arith.constant 0 : index
    %get3A_42 = arith.constant 0 : index
    %get3A_43 = vector.load %arg10[%get3A_41, %get3A_42] : memref<8x4xf32, #tpu.memory_space<vmem>>, vector<8x4xf32>
    %dot_general3A_44 = arith.constant dense<0.000000e+00> : vector<8x8192xf32>
    %dot_general3A_45 = tpu.matmul %get3A_43, %mul3A_40, %dot_general3A_44 {dimension_numbers = #tpu.dot_dimension_numbers<[1], [0], [0], [1], [0, 0, 1, 1], [], []>, transpose_lhs_hint = false} : vector<8x4xf32>, vector<4x8192xf32>, vector<8x8192xf32> -> vector<8x8192xf32>
    %get3A_46 = arith.constant 0 : index
    %get3A_47 = arith.constant 0 : index
    %get3A_48 = vector.load %arg11[%get3A_46, %get3A_47] : memref<8x1xf32, #tpu.memory_space<vmem>>, vector<8x1xf32>
    %add3A_49 = vector.broadcast %get3A_48 : vector<8x1xf32> to vector<8x8192xf32>
    %add3A_50 = arith.addf %dot_general3A_45, %add3A_49 : vector<8x8192xf32>
    %slice3A = vector.extract_strided_slice %get3A_1 {offsets = [0, 0], sizes = [64, 32], strides = [1, 1]} : vector<64x80xf32> to vector<64x32xf32>
    %dot_general3A_51 = arith.constant dense<0.000000e+00> : vector<64x8192xf32>
    %dot_general3A_52 = tpu.matmul %slice3A, %dot_general3A_9, %dot_general3A_51 {dimension_numbers = #tpu.dot_dimension_numbers<[1], [0], [0], [1], [0, 0, 1, 1], [], []>, transpose_lhs_hint = false} : vector<64x32xf32>, vector<32x8192xf32>, vector<64x8192xf32> -> vector<64x8192xf32>
    %slice3A_53 = vector.extract_strided_slice %get3A_1 {offsets = [0, 32], sizes = [64, 16], strides = [1, 1]} : vector<64x80xf32> to vector<64x16xf32>
    %dot_general3A_54 = arith.constant dense<0.000000e+00> : vector<64x8192xf32>
    %dot_general3A_55 = tpu.matmul %slice3A_53, %add3A_33, %dot_general3A_54 {dimension_numbers = #tpu.dot_dimension_numbers<[1], [0], [0], [1], [0, 0, 1, 1], [], []>, transpose_lhs_hint = false} : vector<64x16xf32>, vector<16x8192xf32>, vector<64x8192xf32> -> vector<64x8192xf32>
    %add3A_56 = arith.addf %dot_general3A_52, %dot_general3A_55 : vector<64x8192xf32>
    %slice3A_57 = vector.extract_strided_slice %get3A_1 {offsets = [0, 48], sizes = [64, 8], strides = [1, 1]} : vector<64x80xf32> to vector<64x8xf32>
    %get3A_58 = arith.constant 0 : index
    %get3A_59 = arith.constant 0 : index
    %get3A_60 = vector.load %arg3[%get3A_58, %get3A_59] : memref<8x8192xf32, #tpu.memory_space<vmem>>, vector<8x8192xf32>
    %dot_general3A_61 = arith.constant dense<0.000000e+00> : vector<64x8192xf32>
    %dot_general3A_62 = tpu.matmul %slice3A_57, %get3A_60, %dot_general3A_61 {dimension_numbers = #tpu.dot_dimension_numbers<[1], [0], [0], [1], [0, 0, 1, 1], [], []>, transpose_lhs_hint = false} : vector<64x8xf32>, vector<8x8192xf32>, vector<64x8192xf32> -> vector<64x8192xf32>
    %add3A_63 = arith.addf %add3A_56, %dot_general3A_62 : vector<64x8192xf32>
    %slice3A_64 = vector.extract_strided_slice %get3A_1 {offsets = [0, 72], sizes = [64, 8], strides = [1, 1]} : vector<64x80xf32> to vector<64x8xf32>
    %dot_general3A_65 = arith.constant dense<0.000000e+00> : vector<64x8192xf32>
    %dot_general3A_66 = tpu.matmul %slice3A_64, %add3A_50, %dot_general3A_65 {dimension_numbers = #tpu.dot_dimension_numbers<[1], [0], [0], [1], [0, 0, 1, 1], [], []>, transpose_lhs_hint = false} : vector<64x8xf32>, vector<8x8192xf32>, vector<64x8192xf32> -> vector<64x8192xf32>
    %add3A_67 = arith.addf %add3A_63, %dot_general3A_66 : vector<64x8192xf32>
    %get3A_68 = arith.constant 0 : index
    %get3A_69 = arith.constant 0 : index
    %get3A_70 = vector.load %arg13[%get3A_68, %get3A_69] : memref<64x1xf32, #tpu.memory_space<vmem>>, vector<64x1xf32>
    %add3A_71 = vector.broadcast %get3A_70 : vector<64x1xf32> to vector<64x8192xf32>
    %add3A_72 = arith.addf %add3A_67, %add3A_71 : vector<64x8192xf32>
    %swap3A = arith.constant 0 : index
    %swap3A_73 = arith.constant 0 : index
    %swap3A_74 = vector.load %arg14[%swap3A, %swap3A_73] : memref<64x8192xf32, #tpu.memory_space<vmem>>, vector<64x8192xf32>
    tpu.vector_store %arg14[%swap3A, %swap3A_73], %add3A_72 {strides = array<i32>} : memref<64x8192xf32, #tpu.memory_space<vmem>>, vector<64x8192xf32>,
    return
  }
  func.func @transform_0(%arg0: i32) -> i32 {
    %c0_i32 = arith.constant 0 : i32
    return %arg0 : i32
  }
  func.func @transform_1(%arg0: i32) -> (i32, i32) {
    %c0_i32 = arith.constant 0 : i32
    %c0_i32_0 = arith.constant 0 : i32
    return %c0_i32, %arg0 : i32, i32
  }
  func.func @transform_2(%arg0: i32) -> (i32, i32) {
    %c0_i32 = arith.constant 0 : i32
    %c0_i32_0 = arith.constant 0 : i32
    return %c0_i32, %arg0 : i32, i32
  }
  func.func @transform_3(%arg0: i32) -> (i32, i32, i32) {
    %c0_i32 = arith.constant 0 : i32
    %c0_i32_0 = arith.constant 0 : i32
    %c0_i32_1 = arith.constant 0 : i32
    return %c0_i32, %c0_i32_0, %arg0 : i32, i32, i32
  }
  func.func @transform_4(%arg0: i32) -> (i32, i32) {
    %c0_i32 = arith.constant 0 : i32
    %c0_i32_0 = arith.constant 0 : i32
    %c0_i32_1 = arith.constant 0 : i32
    return %c0_i32, %c0_i32_0 : i32, i32
  }
  func.func @transform_5(%arg0: i32) -> (i32, i32) {
    %c0_i32 = arith.constant 0 : i32
    %c0_i32_0 = arith.constant 0 : i32
    %c0_i32_1 = arith.constant 0 : i32
    return %c0_i32, %c0_i32_0 : i32, i32
  }
  func.func @transform_6(%arg0: i32) -> (i32, i32) {
    %c0_i32 = arith.constant 0 : i32
    %c0_i32_0 = arith.constant 0 : i32
    %c0_i32_1 = arith.constant 0 : i32
    return %c0_i32, %c0_i32_0 : i32, i32
  }
  func.func @transform_7(%arg0: i32) -> (i32, i32) {
    %c0_i32 = arith.constant 0 : i32
    %c0_i32_0 = arith.constant 0 : i32
    %c0_i32_1 = arith.constant 0 : i32
    return %c0_i32, %c0_i32_0 : i32, i32
  }
  func.func @transform_8(%arg0: i32) -> (i32, i32) {
    %c0_i32 = arith.constant 0 : i32
    %c0_i32_0 = arith.constant 0 : i32
    %c0_i32_1 = arith.constant 0 : i32
    return %c0_i32, %c0_i32_0 : i32, i32
  }
  func.func @transform_9(%arg0: i32) -> (i32, i32) {
    %c0_i32 = arith.constant 0 : i32
    %c0_i32_0 = arith.constant 0 : i32
    %c0_i32_1 = arith.constant 0 : i32
    return %c0_i32, %c0_i32_0 : i32, i32
  }
  func.func @transform_10(%arg0: i32) -> (i32, i32) {
    %c0_i32 = arith.constant 0 : i32
    %c0_i32_0 = arith.constant 0 : i32
    %c0_i32_1 = arith.constant 0 : i32
    return %c0_i32, %c0_i32_0 : i32, i32
  }
  func.func @transform_11(%arg0: i32) -> (i32, i32) {
    %c0_i32 = arith.constant 0 : i32
    %c0_i32_0 = arith.constant 0 : i32
    %c0_i32_1 = arith.constant 0 : i32
    return %c0_i32, %c0_i32_0 : i32, i32
  }
  func.func @transform_12(%arg0: i32) -> (i32, i32) {
    %c0_i32 = arith.constant 0 : i32
    %c0_i32_0 = arith.constant 0 : i32
    %c0_i32_1 = arith.constant 0 : i32
    return %c0_i32, %c0_i32_0 : i32, i32
  }
  func.func @transform_13(%arg0: i32) -> (i32, i32) {
    %c0_i32 = arith.constant 0 : i32
    %c0_i32_0 = arith.constant 0 : i32
    return %c0_i32, %arg0 : i32, i32
  }
}

</mosaic_0001>

<sc_bundles>
// kernel: kernel.5.cloned.1.call-start
scs
__scs_entry_jumppad:
0x0: {  	(pc) =	sbr.rel $0x88, $3  }
0x1: {  	(tag) =	ssettag $0x0;
	lr =	simm.s32 $0x1  }
0x2: {  	[smem:$0x3F92] =	sst lr;
	_ =	strace $0xD0000000  }
0x3: {  	_ = 	snop  }
0x4: {  	_ = 	snop  }
0x5: {  	_ = 	snop  }
0x6: {  	_ = 	snop  }
0x7: {  	_ = 	snop  }
__scs_overlays_trampoline_lowered:
0x8: {  	[smem:$0x3FA1] =	sst s0  }
0x9: {  	[smem:$0x3FA2] =	sst s1  }
0xa: {  	[smem:$0x3FA3] =	sst s2  }
0xb: {  	[smem:$0x3FA4] =	sst s3  }
0xc: {  	[smem:$0x3FA5] =	sst s4  }
0xd: {  	[smem:$0x3FA6] =	sst s5  }
0xe: {  	[smem:$0x3FA7] =	sst s6  }
0xf: {  	[smem:$0x3FA8] =	sst s7  }
0x10: {  	[smem:$0x3FA9] =	sst s8  }
0x11: {  	[smem:$0x3FAA] =	sst s9;
	s0 =	simm.s32 @!p0 $0x0  }
0x12: {  	s1 =	sld [smem:$0x3F90];
	s0 =	simm.s32 @p0 $0x1  }
0x13: {  	[smem:$0x3FAB] =	sst s0;
	s0 =	simm.s32 @!p1 $0x0  }
0x14: {  	s2 =	sld [smem:$0x3F8F];
	s0 =	simm.s32 @p1 $0x1  }
0x15: {  	[smem:$0x3FAC] =	sst s0;
	s0 =	simm.s32 @!p2 $0x0  }
0x16: {  	s3 =	sld [smem:$0x3FDB];
	s0 =	simm.s32 @p2 $0x1  }
0x17: {  	s4 =	simm.s32 $0x1BF5;
	[smem:$0x3FAE] =	sst s0  }
0x18: {  	s0 =	sld [smem:$0x3F91];
	_ =	swait.ge [sflag:s4], $0x0  }
0x19: {  	s7 =	sld [smem:$0x3F92]  }
0x1a: {  	s8 =	sadd.s32 $0xFFFFE003, lr  }
0x1b: {  	s9 =	sadd.s32 $0xFFFFFEF7, lr;
	s5 =	simm.s32 $0xFFFFFFFF;
	p2 =	slt.u32 s8, $0xFFFFF086  }
0x1c: {  	p1 =	slt.u32 s9, $0xF7A;
	s5 =	simm.s32 @!p2 $0x0  }
0x1d: {  	s5 =	simm.s32 @p1 $0x1;
	p0 =	seq.s32 s7, s2  }
0x1e: {  	s7 =	smul.u32 @!p0 $0xF7A, s2;
	p2 =	seq.s32 @!p0 s5, $0x0  }
0x1f: {  	s9 =	smul.u32 $0xF7A, s1;
	s8 =	simm.s32 @!p0 $0x1BF5;
	p2 =	por !p2, p0  }
0x20: {  	[sflag:s8] =	ssyncset.s32 @!p0 $0xFFFFF086;
	s6 =	sadd.s32 @!p0 s3, s7;
	s7 =	simm.s32 @!p0 $0x108  }
0x21: {  	s3 =	sadd.s32 s3, s9;
	s6 =	sadd.s32 @!p0 $0x88, s6;
	s7 =	simm.s32 @p2 $0x1082  }
0x22: {  	[simem:s7], [sflag:s8] =	dma.local @!p0 [hbm:s6], $0xF7A  }
0x23: {  	s9 =	sor.u32 $0xD0000000, s2;
	s6 =	simm.s32 $0x108;
	_ =	swait.ge @!p0 [sflag:s8], $0x0  }
0x24: {  	s3 =	sadd.s32 $0x88, s3;
	s6 =	simm.s32 @!p1 $0x1082;
	[sflag:s4] =	ssyncset.s32 $0xFFFFF086  }
0x25: {  	[simem:s6], [sflag:s4] =	dma.local [hbm:s3], $0xF7A  }
0x26: {  	[smem:$0x3F92] =	sst s1;
	(tag) =	ssettag s2;
	_ =	strace s9  }
0x27: {  	s1 =	sld [smem:$0x3FA2]  }
0x28: {  	s2 =	sld [smem:$0x3FA3]  }
0x29: {  	s4 =	sld [smem:$0x3FA5]  }
0x2a: {  	p0 =	seq.s32 s5, $0x0;
	s5 =	sld [smem:$0x3FA6]  }
0x2b: {  	s6 =	sld [smem:$0x3FA7]  }
0x2c: {  	s7 =	sld [smem:$0x3FA8]  }
0x2d: {  	s3 =	simm.s32 $0x108;
	s8 =	sld [smem:$0x3FA9]  }
0x2e: {  	s3 =	simm.s32 @!p0 $0x1082;
	s9 =	sld [smem:$0x3FAA]  }
0x2f: {  	lr =	sadd.s32 s0, s3;
	s0 =	sld [smem:$0x3FA1]  }
0x30: {  	s3 =	sld [smem:$0x3FA4]  }
0x31: {  	[smem:$0x3FAD] =	sst s10  }
0x32: {  	s10 =	sld [smem:$0x3FAB];
	_ =	sdelay $0x3  }
0x33: {  	p0 =	seq.s32 s10, $0x1;
	s10 =	sld [smem:$0x3FAD];
	_ =	sdelay $0x3  }
0x34: {  	[smem:$0x3FAD] =	sst s10  }
0x35: {  	s10 =	sld [smem:$0x3FAC];
	_ =	sdelay $0x3  }
0x36: {  	p1 =	seq.s32 s10, $0x1;
	s10 =	sld [smem:$0x3FAD];
	_ =	sdelay $0x3  }
0x37: {  	[smem:$0x3FAD] =	sst s10  }
0x38: {  	s10 =	sld [smem:$0x3FAE]  }
0x39: {  	_ = 	snop;
	(pc) =	sbr.ind lr, $3  }
0x3a: {  	_ = 	snop  }
0x3b: {  	_ = 	snop  }
0x3c: {  	p2 =	seq.s32 s10, $0x1;
	s10 =	sld [smem:$0x3FAD]  }
0x3d: {  	_ =	shalt  }
0x3e: {  	_ =	shalt  }
0x3f: {  	_ =	shalt  }
0x40: {  	_ =	shalt  }
0x41: {  	_ =	shalt  }
0x42: {  	_ =	shalt  }
0x43: {  	_ =	shalt  }
0x44: {  	_ =	shalt  }
0x45: {  	_ =	shalt  }
0x46: {  	_ =	shalt  }
0x47: {  	_ =	shalt  }
0x48: {  	_ =	shalt  }
0x49: {  	_ =	shalt  }
0x4a: {  	_ =	shalt  }
0x4b: {  	_ =	shalt  }
0x4c: {  	_ =	shalt  }
0x4d: {  	_ =	shalt  }
0x4e: {  	_ =	shalt  }
0x4f: {  	_ =	shalt  }
0x50: {  	_ =	shalt  }
0x51: {  	_ =	shalt  }
0x52: {  	_ =	shalt  }
0x53: {  	_ =	shalt  }
0x54: {  	_ =	shalt  }
0x55: {  	_ =	shalt  }
0x56: {  	_ =	shalt  }
0x57: {  	_ =	shalt  }
0x58: {  	_ =	shalt  }
0x59: {  	_ =	shalt  }
0x5a: {  	_ =	shalt  }
0x5b: {  	_ =	shalt  }
0x5c: {  	_ =	shalt  }
0x5d: {  	_ =	shalt  }
0x5e: {  	_ =	shalt  }
0x5f: {  	_ =	shalt  }
0x60: {  	_ =	shalt  }
0x61: {  	_ =	shalt  }
0x62: {  	_ =	shalt  }
0x63: {  	_ =	shalt  }
0x64: {  	_ =	shalt  }
0x65: {  	_ =	shalt  }
0x66: {  	_ =	shalt  }
0x67: {  	_ =	shalt  }
0x68: {  	_ =	shalt  }
0x69: {  	_ =	shalt  }
0x6a: {  	_ =	shalt  }
0x6b: {  	_ =	shalt  }
0x6c: {  	_ =	shalt  }
0x6d: {  	_ =	shalt  }
0x6e: {  	_ =	shalt  }
0x6f: {  	_ =	shalt  }
0x70: {  	_ =	shalt  }
0x71: {  	_ =	shalt  }
0x72: {  	_ =	shalt  }
0x73: {  	_ =	shalt  }
0x74: {  	_ =	shalt  }
0x75: {  	_ =	shalt  }
0x76: {  	_ =	shalt  }
0x77: {  	_ =	shalt  }
0x78: {  	_ =	shalt  }
0x79: {  	_ =	shalt  }
0x7a: {  	_ =	shalt  }
0x7b: {  	_ =	shalt  }
0x7c: {  	_ =	shalt  }
0x7d: {  	_ =	shalt  }
0x7e: {  	_ =	shalt  }
0x7f: {  	_ =	shalt  }
0x80: {  	_ =	shalt  }
0x81: {  	_ =	shalt  }
0x82: {  	_ =	shalt  }
0x83: {  	_ =	shalt  }
0x84: {  	_ =	shalt  }
0x85: {  	_ =	shalt  }
0x86: {  	_ =	shalt  }
0x87: {  	_ =	shalt  }
.Lfunc_end0:
.L_simem_size_0:
called_computation_lowered:
.L_overlay_start_0:
0x88: {  	s2 =	sld [smem:$0x3FD9]  }
0x89: {  	s3 =	sld [smem:$0x3FFE];
	_ =	sdelay $0x1  }
0x8a: {  	s1 =	srdreg.scid  }
0x8b: {  	s0 =	sand.u32 $0x1, s1  }
0x8c: {  	s17 =	sshll.u32 s0, $0xA;
	s2 =	sadd.s32 s3, s2  }
0x8d: {  	s2 =	sadd.s32 s2, s17  }
0x8e: {  	[smem:$0x3FB9] =	sst s2  }
0x8f: {  	_ = 	snop  }
0x90: {  	s2 =	sld [smem:$0x3FD0];
	(tm) =	ssettm $0x1  }
0x91: {  	s18 =	sld [smem:$0x3FFB];
	_ =	sdelay $0x3  }
0x92: {  	_ =	strace s18  }
0x93: {  	s3 =	sld [smem:$0x3FFC];
	_ =	sdelay $0x3  }
0x94: {  	_ =	strace s3  }
0x95: {  	s3 =	sld [smem:$0x3FFD];
	_ =	sdelay $0x3  }
0x96: {  	_ =	strace s3  }
0x97: {  	_ =	strace $0x8FFFFFFF  }
0x98: {  	s19 =	sld [smem:$0x3FDB];
	_ =	sdelay $0x1  }
0x99: {  	s4 =	simm.s32 $_scs_section_size  }
0x9a: {  	s5 =	simm.s32 $_size__tile_overlayer_lowered;
	s6 =	simm.s32 $_tile_overlayer_lowered  }
0x9b: {  	s22 =	simm.s32 $0x1BFF;
	s21 =	sshll.u32 s6, $0x1;
	s3 =	sadd.s32 s4, s19  }
0x9c: {  	s7 =	simm.s32 $0x0;
	s20 =	sshll.u32 s5, $0x1;
	s5 =	sadd.s32 s21, s3  }
0x9d: {  	[timem:s7], [sflag:s22] =	dma.local [hbm:s5], s20  }
0x9e: {  	_ =	swait.ge [sflag:s22], s20  }
0x9f: {  	s4 =	ssub.s32 $0x0, s20;
	[sflag:s22] =	ssyncset.done $0x0  }
0xa0: {  	[sflag:s22] =	ssyncadd.s32 s4;
	_ =	sdelay $0x1  }
0xa1: {  	s23 =	simm.s32 $0x1B8B  }
0xa2: {  	_ =	swait.ge [sflag:s23], $0x1  }
0xa3: {  	[sflag:s23] =	ssyncset.done $0x0  }
0xa4: {  	s25 =	simm.s32 $0x1B8E;
	s24 =	sld [smem:$0x3FFE];
	[sflag:s23] =	ssyncadd.s32 $0xFFFFFFFF  }
0xa5: {  	s26 =	simm.s32 $execute0_lowered;
	[smem:$0x3FD2] =	sst s25  }
0xa6: {  	s5 =	sshll.u32 s26, $0x1;
	_ =	strace $0x80000046;
	[dreg:$0x1] =	wrdreg $0xFFFFFFFF  }
0xa7: {  	s28 =	simm.s32 $_size_execute0_lowered;
	s3 =	sadd.s32 s3, s5;
	[dreg:$0x0] =	wrdreg $0x0  }
0xa8: {  	s5 =	sshll.u32 s28, $0x1;
	[dreg:$0x2] =	wrdreg s3  }
0xa9: {  	[dreg:$0x3] =	wrdreg s5  }
0xaa: {  	[dreg:$0x4] =	wrdreg $0xC0  }
0xab: {  	_ =	task [dreg:s7], $0x5FFFF  }
0xac: {  	[dreg:$0x1] =	wrdreg $0xFFFFFFFF  }
0xad: {  	[dreg:$0x0] =	wrdreg $0x60  }
0xae: {  	[dreg:$0x2] =	wrdreg s24  }
0xaf: {  	[dreg:$0x3] =	wrdreg s2  }
0xb0: {  	[dreg:$0x4] =	wrdreg $0x9  }
0xb1: {  	_ =	task.clear_ibuf [dreg:s7], $0x5FFFF;
	_ =	strace $0x90000046  }
0xb2: {  	s29 =	simm.s32 $0x9;
	_ =	strace $0x80000048  }
0xb3: {  	_ =	swait.ge [sflag:s29], $0x1  }
0xb4: {  	[sflag:s29] =	ssyncadd.s32 $0xFFFFFFFF  }
0xb5: {  	_ =	strace $0x90000048  }
0xb6: {  	_ =	sfence  }
0xb7: {  	s30 =	sld [smem:$0x0];
	_ =	sdelay $0x2  }
0xb8: {  	s31 =	sshll.u32 s1, $0xD;
	s1 =	sshrl.u32 s1, $0x2  }
0xb9: {  	s3 =	sand.u32 $0x4000, s31;
	s1 =	sadd.s32 s1, s30  }
0xba: {  	s0 =	sor.u32 s3, s0;
	s1 =	sshll.u32 s1, $0x11  }
0xbb: {  	s0 =	sor.u32 s1, s0  }
0xbc: {  	s0 =	sadd.s32 $0x8F2B, s0  }
0xbd: {  	[sflag:s0] =	ssyncadd.remote.s32 $0x1  }
0xbe: {  	_ =	sfence.sel $0xFFFF  }
0xbf: {  	[dreg:$0x0] =	wrdreg $0xFFFFFFFF;
	(pc) =	sbr.abs _section_cstart, $3  }
0xc0: {  	[dreg:$0x1] =	wrdreg $0xFFFFFFFF  }
0xc1: {  	_ =	task.clear_ibuf [dreg:s7], $0x2FFFF;
	_ =	strace $0x9FFFFFFF  }
0xc2: {  	(tm) =	ssettm $0x7FFFFFFF  }
0xc3: {  	_ =	shalt  }
tec
execute0_lowered:
.L_overlay_start_1:
0x0: {  	(tag) =	ssettag $0x1  }
0x1: {  	s3 =	rddreg [dreg:$0x0]  }
0x2: {  	s12 =	rddreg [dreg:$0x1];
	s2 =	srdreg.scid  }
0x3: {  	s0 =	rddreg [dreg:$0x2];
	s1 =	stileid.u32  }
0x4: {  	s16 =	simm.s32 $0x400;
	s17 =	simm.s32 $0x600;
	s18 =	simm.s32 $0x800  }
0x5: {  	s19 =	simm.s32 $0xA00;
	s20 =	simm.s32 $0xC00;
	s21 =	simm.s32 $0xE00  }
0x6: {  	s22 =	simm.s32 $0x1000;
	s23 =	simm.s32 $0x1;
	s24 =	simm.s32 $0x11000  }
0x7: {  	s25 =	simm.s32 $0x0;
	s4 =	sand.u32 $0x1, s2;
	s2 =	simm.s32 $0x0  }
0x8: {  	s5 =	sshll.u32 s1, $0xA;
	s6 =	sshll.u32 s4, $0x9;
	s4 =	ssub.s32 $0x2, s4  }
0x9: {  	[smem:$0x7FF] =	sst s2;
	s11 =	sor.u32 s6, s5;
	s31 =	sshrl.u32 s4, $0x1  }
0xa: {  	_ =	strace $0x80000047;
	s5 =	sshrl.u32 s11, $0x3;
	s14 =	ssub.s32 s4, s31  }
0xb: {  	s15 =	sshll.u32 s11, $0x1;
	s13 =	sadd.s32 s5, s3;
	s3 =	sadd.s32 $0x188A00, s3  }
0xc: {  	s12 =	sadd.s32 s12, s15;
	s15 =	simm.s32 $0x200;
	s4 =	sadd.s32 $0x2000, s13  }
0xd: {  	s5 =	sadd.s32 $0x2800, s13;
	s6 =	sadd.s32 $0x3000, s13;
	s7 =	sadd.s32 $0x3800, s13  }
0xe: {  	s8 =	sadd.s32 $0x4000, s13;
	s9 =	sadd.s32 $0x4800, s13;
	s10 =	sadd.s32 $0x5000, s13  }
0xf: {  	s11 =	sadd.s32 $0x5800, s13;
	s13 =	smax.u32 s14, $0x1;
	s14 =	simm.s32 $0x2  }
.LBB2_1:
0x10: {  	[tilespmem:s2], [sflag:$0x2] =	stream.linear.gather [hbm4b:s4+s2], $0x200, $0x38;
	[tilespmem:$0x13000] =	vst v63  }
0x11: {  	_ =	swait.ge [sflag:s14], $0x200  }
0x12: {  	[sflag:s14] =	ssyncset.done $0x0  }
0x13: {  	[sflag:s14] =	ssyncadd.s32 $0xFFFFFE00  }
0x14: {  	[tilespmem:s15], [sflag:$0x2] =	stream.linear.gather [hbm4b:s5+s2], $0x200, $0x38;
	[tilespmem:$0x13000] =	vst v63  }
0x15: {  	_ =	swait.ge [sflag:s14], $0x200  }
0x16: {  	[sflag:s14] =	ssyncset.done $0x0  }
0x17: {  	[sflag:s14] =	ssyncadd.s32 $0xFFFFFE00  }
0x18: {  	[tilespmem:s16], [sflag:$0x2] =	stream.linear.gather [hbm4b:s6+s2], $0x200, $0x38;
	[tilespmem:$0x13000] =	vst v63  }
0x19: {  	_ =	swait.ge [sflag:s14], $0x200  }
0x1a: {  	[sflag:s14] =	ssyncset.done $0x0  }
0x1b: {  	[sflag:s14] =	ssyncadd.s32 $0xFFFFFE00  }
0x1c: {  	[tilespmem:s17], [sflag:$0x2] =	stream.linear.gather [hbm4b:s7+s2], $0x200, $0x38;
	[tilespmem:$0x13000] =	vst v63  }
0x1d: {  	_ =	swait.ge [sflag:s14], $0x200  }
0x1e: {  	[sflag:s14] =	ssyncset.done $0x0  }
0x1f: {  	[sflag:s14] =	ssyncadd.s32 $0xFFFFFE00  }
0x20: {  	[tilespmem:s18], [sflag:$0x2] =	stream.linear.gather [hbm4b:s8+s2], $0x200, $0x38;
	[tilespmem:$0x13000] =	vst v63  }
0x21: {  	_ =	swait.ge [sflag:s14], $0x200  }
0x22: {  	[sflag:s14] =	ssyncset.done $0x0  }
0x23: {  	[sflag:s14] =	ssyncadd.s32 $0xFFFFFE00  }
0x24: {  	[tilespmem:s19], [sflag:$0x2] =	stream.linear.gather [hbm4b:s9+s2], $0x200, $0x38;
	[tilespmem:$0x13000] =	vst v63  }
0x25: {  	_ =	swait.ge [sflag:s14], $0x200  }
0x26: {  	[sflag:s14] =	ssyncset.done $0x0  }
0x27: {  	[sflag:s14] =	ssyncadd.s32 $0xFFFFFE00  }
0x28: {  	[tilespmem:s20], [sflag:$0x2] =	stream.linear.gather [hbm4b:s10+s2], $0x200, $0x38;
	[tilespmem:$0x13000] =	vst v63  }
0x29: {  	_ =	swait.ge [sflag:s14], $0x200  }
0x2a: {  	[sflag:s14] =	ssyncset.done $0x0  }
0x2b: {  	[sflag:s14] =	ssyncadd.s32 $0xFFFFFE00  }
0x2c: {  	[tilespmem:s21], [sflag:$0x2] =	stream.linear.gather [hbm4b:s11+s2], $0x200, $0x38;
	[tilespmem:$0x13000] =	vst v63  }
0x2d: {  	_ =	swait.ge [sflag:s14], $0x200  }
0x2e: {  	[sflag:s14] =	ssyncset.done $0x0  }
0x2f: {  	[sflag:s14] =	ssyncadd.s32 $0xFFFFFE00  }
0x30: {  	[tilespmem:s22], [sflag:$0x1] =	stream.indirect.gather [hbm4b:s3+s22], $0x10, s2, s22, $0xb8;
	[tilespmem:$0x13000] =	vst v63  }
0x31: {  	_ =	swait.ge [sflag:s23], $0x10000  }
0x32: {  	[sflag:s23] =	ssyncset.done $0x0  }
0x33: {  	s28 =	simm.s32 $0x0;
	[sflag:s23] =	ssyncadd.s32 $0xFFFF0000  }
0x34: {  	v0 =	vld [tilespmem:s28+$0x1000]  }
0x35: {  	v1 =	vld [tilespmem:s28+$0x3000];
	_ =	sdelay $0x1  }
0x36: {  	v2 =	vld [tilespmem:s28+$0x5000];
	_ =	sdelay $0x1  }
0x37: {  	v3 =	vld [tilespmem:s28+$0x7000]  }
0x38: {  	v4 =	vld [tilespmem:s28+$0xB000];
	v0 =	vadd.f32 v1, v0  }
0x39: {  	s26 =	simm.s32 $0x10;
	v1 =	vld [tilespmem:s28+$0x9000]  }
0x3a: {  	v5 =	vld [tilespmem:s26+$0x1000];
	v0 =	vadd.f32 v2, v0  }
0x3b: {  	v6 =	vld [tilespmem:s26+$0x3000]  }
0x3c: {  	v7 =	vld [tilespmem:s28+$0xD000];
	v0 =	vadd.f32 v3, v0  }
0x3d: {  	v8 =	vld [tilespmem:s26+$0x5000]  }
0x3e: {  	v2 =	vld [tilespmem:s28+$0xF000];
	v3 =	vadd.f32 v1, v0  }
0x3f: {  	v1 =	vld [tilespmem:s26+$0x7000]  }
0x40: {  	v5 =	vadd.f32 v6, v5;
	v0 =	vld [tilespmem:s26+$0xB000];
	v6 =	vadd.f32 v4, v3  }
0x41: {  	s29 =	simm.s32 $0x20;
	v3 =	vld [tilespmem:s26+$0x9000]  }
0x42: {  	s30 =	simm.s32 $0xC0;
	v5 =	vadd.f32 v8, v5;
	v4 =	vld [tilespmem:s29+$0x1000];
	v6 =	vadd.f32 v7, v6  }
.LBB2_2:
0x43: {  	p0 =	sne.s32 s30, $0x7FC0;
	v7 =	vld [tilespmem:s29+$0x3000]  }
0x44: {  	v1 =	vadd.f32 v1, v5;
	v8 =	vld [tilespmem:s26+$0xD000];
	v5 =	vadd.f32 v2, v6  }
0x45: {  	v6 =	vld [tilespmem:s29+$0x5000]  }
.Ltmp0:
0x46: {  	v3 =	vadd.f32 v3, v1;
	v2 =	vld [tilespmem:s26+$0xF000];
	v5 =	vmul.f32 $1.250000000e-01, v5;
	(pc) =	sbr.rel @p0 .LBB2_2-.Ltmp0, $4  }
0x47: {  	v1 =	vld [tilespmem:s29+$0x7000]  }
0x48: {  	v7 =	vadd.f32 v7, v4;
	v9 =	vadd.f32 v0, v3;
	v0 =	vld [tilespmem:s29+$0xB000];
	[tilespmem:s28+$0x11000] =	vst v5;
	s28 =	smov.u32 s26;
	s26 =	smov.u32 s29  }
0x49: {  	s29 =	sshra.s32 s30, $0x2;
	v3 =	vld [tilespmem:s26+$0x9000]  }
0x4a: {  	s30 =	sadd.s32 $0x40, s30;
	v4 =	vld [tilespmem:s29+$0x1000];
	v5 =	vadd.f32 v6, v7;
	v6 =	vadd.f32 v8, v9  }
0x4b: {  	v7 =	vld [tilespmem:s29+$0x3000]  }
0x4c: {  	v8 =	vld [tilespmem:s26+$0xD000];
	v2 =	vadd.f32 v2, v6  }
0x4d: {  	v61 =	vld [tilespmem:s29+$0x5000]  }
0x4e: {  	v9 =	vld [tilespmem:s26+$0xF000];
	v2 =	vmul.f32 $1.250000000e-01, v2  }
0x4f: {  	v10 =	vld [tilespmem:s29+$0x7000]  }
0x50: {  	v11 =	vld [tilespmem:s29+$0xB000];
	v4 =	vadd.f32 v7, v4;
	[tilespmem:s28+$0x11000] =	vst v2  }
0x51: {  	v2 =	vld [tilespmem:s29+$0x9000]  }
0x52: {  	v4 =	vadd.f32 v61, v4  }
0x53: {  	v1 =	vadd.f32 v1, v5  }
0x54: {  	v4 =	vadd.f32 v10, v4  }
0x55: {  	v1 =	vadd.f32 v3, v1;
	v62 =	vld [tilespmem:s29+$0xD000]  }
0x56: {  	v2 =	vadd.f32 v2, v4  }
0x57: {  	v0 =	vadd.f32 v0, v1;
	v63 =	vld [tilespmem:s29+$0xF000]  }
0x58: {  	v2 =	vadd.f32 v11, v2  }
0x59: {  	v0 =	vadd.f32 v8, v0  }
0x5a: {  	v2 =	vadd.f32 v62, v2  }
0x5b: {  	v0 =	vadd.f32 v9, v0  }
0x5c: {  	v1 =	vadd.f32 v63, v2  }
0x5d: {  	v0 =	vmul.f32 $1.250000000e-01, v0  }
0x5e: {  	s25 =	sadd.s32 $0x1, s25;
	v1 =	vmul.f32 $1.250000000e-01, v1  }
0x5f: {  	p0 =	sne.s32 s25, s13;
	[tilespmem:s26+$0x11000] =	vst v0  }
.Ltmp1:
0x60: {  	[tilespmem:s29+$0x11000] =	vst v1;
	(pc) =	sbr.rel @p0 .LBB2_1-.Ltmp1, $4  }
0x61: {  	[hbm4b:s12+s2] =	stream.linear.scatter [tilespmem:s24], [sflag:$0x2], $0x2000, $0x38;
	[tilespmem:$0x13000] =	vst v63  }
0x62: {  	_ =	swait.ge [sflag:s14], $0x2000  }
0x63: {  	[sflag:s14] =	ssyncset.done $0x0  }
0x64: {  	[sflag:s14] =	ssyncadd.s32 $0xFFFFE000  }
0x65: {  	_ =	sfence.sel $0x180000  }
0x66: {  	[bflag:$0x0] =	sbarrier.arrive $0xFFFF  }
0x67: {  	p0 =	sne.s32 s1, $0x0;
	_ =	strace $0x90000047  }
0x68: {  	s0 =	sadd.s32 @!p0 $0x100000, s0;
	[bflag:$0x2] =	sbarrier.arrive $0xFFFF  }
0x69: {  	[sflag:s0] =	ssyncadd.tile.s32 @!p0 $0x1;
	_ =	shalt  }
.Lfunc_end2:
_tile_overlayer_lowered:
.L_overlay_start_2:
0x6a: {  	(tag) =	ssettag $0x2  }
0x6b: {  	s0 =	rddreg [dreg:$0x0];
	s2 =	stileid.u32  }
0x6c: {  	s1 =	rddreg [dreg:$0x1];
	p0 =	sne.s32 s2, $0x0  }
0x6d: {  	s3 =	rddreg [dreg:$0x2];
	[bflag:$0x3] =	sbarrier.arrive $0xFFFF;
	s2 =	simm.s32 @!p0 $0x1C02  }
0x6e: {  	[timem:s3], [sflag:s2] =	dma.local @!p0 [hbm:s0], s1  }
0x6f: {  	s0 =	simm.s32 @!p0 $0x2  }
0x70: {  	_ =	swait.ge @!p0 [sflag:s0], s1  }
0x71: {  	s1 =	ssub.s32 @!p0 $0x0, s1;
	[sflag:s0] =	ssyncset.done @!p0 $0x0  }
0x72: {  	[sflag:s0] =	ssyncadd.s32 @!p0 s1  }
0x73: {  	[bflag:$0x3] =	sbarrier.arrive $0xFFFF  }
0x74: {  	_ =	shalt  }

</sc_bundles>
